<compile_context>
chip_gen: v7x
topology: tpu7x:2x2x1
jax: 0.10.2.dev20260603
libtpu: 0.0.44.dev20260713+nightly
codegen_flags: <defaults>
</compile_context>

<pallas_src>
import functools

import jax
import jax.numpy as jnp
from jax import lax
from jax.experimental import pallas as pl
from jax.experimental.pallas import tpu as pltpu
from jax.experimental.pallas import tpu_sc as plsc

_ATANH_HALF = 0.5493061443340549

_NUM_WORKERS = 32
_LANES = 16
_PER_W = 272


def _sc_mask_decisions(plan_rows, plan_cols, m):
    n_edges = plan_rows.shape[0]
    half_w = _NUM_WORKERS // 2
    per_w = -(-n_edges // half_w)
    ngroups = -(-per_w // _LANES)
    e_pad = half_w * ngroups * _LANES
    e_out = _NUM_WORKERS * _PER_W

    mesh = plsc.VectorSubcoreMesh(core_axis_name="c", subcore_axis_name="s")

    @functools.partial(
        pl.kernel,
        out_type=(
            jax.ShapeDtypeStruct((e_out,), jnp.int32),
            jax.ShapeDtypeStruct((e_out,), jnp.int32),
            jax.ShapeDtypeStruct((e_out,), jnp.float32),
            jax.ShapeDtypeStruct((_NUM_WORKERS, _LANES), jnp.int32),
        ),
        mesh=mesh,
        compiler_params=pltpu.CompilerParams(needs_layout_passes=False),
        scratch_types=[
            pltpu.VMEM((e_pad,), jnp.int32),
            pltpu.VMEM((e_pad,), jnp.int32),
            pltpu.VMEM((e_pad,), jnp.float32),
            pltpu.VMEM((_PER_W + _LANES,), jnp.int32),
            pltpu.VMEM((_PER_W + _LANES,), jnp.int32),
            pltpu.VMEM((_PER_W + _LANES,), jnp.float32),
            pltpu.VMEM((_LANES,), jnp.int32),
            pltpu.SemaphoreType.DMA,
        ],
    )
    def sc_kernel(rows_hbm, cols_hbm, m_hbm,
                  mrow_hbm, mcol_hbm, mval_hbm, cnt_hbm,
                  rv, cv, mv, orow, ocol, oval, cnt_v, lsem):
        cid = lax.axis_index("c")
        sid = lax.axis_index("s")
        wid = sid * 2 + cid
        swapped = wid >= half_w
        base = (wid % half_w) * per_w
        h1 = pltpu.async_copy(rows_hbm, rv.at[pl.ds(0, n_edges)], lsem)
        h2 = pltpu.async_copy(cols_hbm, cv.at[pl.ds(0, n_edges)], lsem)
        h3 = pltpu.async_copy(m_hbm, mv.at[pl.ds(0, n_edges)], lsem)
        h1.wait()
        h2.wait()
        h3.wait()

        lane = lax.iota(jnp.int32, _LANES)

        @pl.loop(0, ngroups, init_carry=jnp.int32(0))
        def scan(g, off):
            b = base + g * _LANES
            ra = rv[pl.ds(b, _LANES)]
            ca = cv[pl.ds(b, _LANES)]
            mm = mv[pl.ds(b, _LANES)]
            r = jnp.where(swapped, ca, ra)
            c = jnp.where(swapped, ra, ca)
            pos = mm > _ATANH_HALF
            valid = (g * _LANES + lane) < per_w
            match = (pos | (mm < -_ATANH_HALF)) & valid
            val = jnp.where(pos, jnp.float32(1.0), jnp.float32(0.0))
            plsc.store_compressed(orow.at[pl.ds(off, _LANES)], r, mask=match)
            plsc.store_compressed(ocol.at[pl.ds(off, _LANES)], c, mask=match)
            plsc.store_compressed(oval.at[pl.ds(off, _LANES)], val, mask=match)
            return off + plsc.all_reduce_population_count(match)[0]

        cnt_v[...] = jnp.full((_LANES,), scan, dtype=jnp.int32)
        obase = wid * _PER_W
        pltpu.sync_copy(orow.at[pl.ds(0, _PER_W)], mrow_hbm.at[pl.ds(obase, _PER_W)])
        pltpu.sync_copy(ocol.at[pl.ds(0, _PER_W)], mcol_hbm.at[pl.ds(obase, _PER_W)])
        pltpu.sync_copy(oval.at[pl.ds(0, _PER_W)], mval_hbm.at[pl.ds(obase, _PER_W)])
        pltpu.sync_copy(cnt_v, cnt_hbm.at[wid])

    return sc_kernel(plan_rows, plan_cols, m)


def _tc_gcn(adj, mrow, mcol, mval, counts, x, W1, b1, W2, b2):
    n = adj.shape[0]
    nclass = W2.shape[1]

    def body(adj_hbm, mrow_ref, mcol_ref, mval_ref, cnt_ref,
             x_ref, w1_ref, b1_ref, w2_ref, b2_ref, out_ref,
             adj_v, sems):
        ha = pltpu.async_copy(adj_hbm, adj_v, sems)
        u = jnp.dot(x_ref[...], w1_ref[...], preferred_element_type=jnp.float32)
        ha.wait()

        @pl.loop(0, _NUM_WORKERS)
        def seg(k):
            c = cnt_ref[k, 0]

            @pl.loop(0, c)
            def ent(i):
                j = k * _PER_W + i
                r = mrow_ref[j]
                cc = mcol_ref[j]
                v = mval_ref[j]
                r8 = pl.multiple_of((r // 8) * 8, 8)
                blk = adj_v[pl.ds(r8, 8), :]
                sub = lax.broadcasted_iota(jnp.int32, (8, n), 0)
                lanes = lax.broadcasted_iota(jnp.int32, (8, n), 1)
                hit = (sub == r - r8) & (lanes == cc)
                adj_v[pl.ds(r8, 8), :] = jnp.where(hit, v, blk)

        a = adj_v[...]
        deg = jnp.sum(a, axis=1, dtype=jnp.float32) + 1.0
        s = lax.rsqrt(deg)[:, None]
        v1 = u * s
        p1 = jnp.dot(a, v1, preferred_element_type=jnp.float32) + v1
        h = jnp.maximum(p1 * s + b1_ref[...][None, :], 0.0)
        v2 = jnp.dot(h, w2_ref[...], preferred_element_type=jnp.float32) * s
        p2 = jnp.dot(a, v2, preferred_element_type=jnp.float32) + v2
        o = p2 * s + b2_ref[...][None, :]
        mx = jnp.max(o, axis=1, keepdims=True)
        lse = jnp.log(jnp.sum(jnp.exp(o - mx), axis=1, keepdims=True)) + mx
        out_ref[...] = o - lse

    vspec = pl.BlockSpec(memory_space=pltpu.VMEM)
    sspec = pl.BlockSpec(memory_space=pltpu.SMEM)
    aspec = pl.BlockSpec(memory_space=pl.ANY)
    return pl.pallas_call(
        body,
        out_shape=jax.ShapeDtypeStruct((n, nclass), jnp.float32),
        in_specs=[aspec, sspec, sspec, sspec, sspec,
                  vspec, vspec, vspec, vspec, vspec],
        out_specs=vspec,
        scratch_shapes=[
            pltpu.VMEM((n, n), jnp.float32),
            pltpu.SemaphoreType.DMA,
        ],
        compiler_params=pltpu.CompilerParams(
            vmem_limit_bytes=60000 * 1024,
        ),
    )(adj, mrow, mcol, mval, counts, x, W1, b1, W2, b2)


def kernel(x, sub_adj, M, plan_rows, plan_cols, W1, b1, W2, b2):
    rows = plan_rows.astype(jnp.int32)
    cols = plan_cols.astype(jnp.int32)
    m = M.astype(jnp.float32)
    mrow, mcol, mval, counts = _sc_mask_decisions(rows, cols, m)
    return _tc_gcn(sub_adj, mrow, mcol, mval, counts, x, W1, b1, W2, b2)

# --- scband reference (transcript-rebuilt; emitter-appended) ---
"""Pipeline reference for scband-gnnperturb-58823872086695 (READ-ONLY COPY).

The authoritative reference and input builder live on the scoring server;
editing this copy changes nothing except your own understanding.
"""

import jax, jax.numpy as jnp
import numpy as np

N = 2048
NFEAT = 512
NHID = 128
NCLASS = 16
AVG_DEG = 16
N_DEL = 4096
N_ADD = 96
NODE_IDX = 0


def setup_inputs(seed: int = 0) -> dict:
    key = jax.random.key(seed)
    k_x, k_w1, k_w2 = jax.random.split(key, 3)
    rng = np.random.default_rng(0)
    # symmetric binary adjacency, avg degree ~= AVG_DEG, zero diagonal
    rows = rng.integers(0, N, size=N * AVG_DEG)
    cols = rng.integers(0, N, size=N * AVG_DEG)
    adj = np.zeros((N, N), dtype=np.float32)
    adj[rows, cols] = 1.0
    adj = np.maximum(adj, adj.T)
    np.fill_diagonal(adj, 0.0)
    # plan of perturbable edges: existing upper-triangular edges (deletable, init -0.5)
    ones = np.argwhere(adj == 1.0)
    upper = ones[ones[:, 0] < ones[:, 1]]
    upper = upper[:N_DEL]
    del_rows = upper[:, 0].astype(np.int64)
    del_cols = upper[:, 1].astype(np.int64)
    # addable edges from target node to attack nodes (init 0.4)
    add_rows = np.full(N_ADD, NODE_IDX, dtype=np.int64)
    add_cols = np.arange(1, N_ADD + 1, dtype=np.int64)
    plan_rows = np.concatenate([del_rows, add_rows])
    plan_cols = np.concatenate([del_cols, add_cols])
    M = np.concatenate([
        np.full(len(del_rows), -0.5, dtype=np.float32),
        np.full(N_ADD, 0.4, dtype=np.float32),
    ])
    x = jax.random.normal(k_x, (N, NFEAT), dtype=jnp.float32)
    W1 = jax.random.normal(k_w1, (NFEAT, NHID), dtype=jnp.float32) * 0.05
    b1 = jnp.zeros((NHID,), dtype=jnp.float32)
    W2 = jax.random.normal(k_w2, (NHID, NCLASS), dtype=jnp.float32) * 0.05
    b2 = jnp.zeros((NCLASS,), dtype=jnp.float32)
    return {
        "x": x,
        "sub_adj": jnp.asarray(adj),
        "M": jnp.asarray(M),
        "plan_rows": jnp.asarray(plan_rows),
        "plan_cols": jnp.asarray(plan_cols),
        "W1": W1,
        "b1": b1,
        "W2": W2,
        "b2": b2,
    }


def reference(x, sub_adj, M, plan_rows, plan_cols, W1, b1, W2, b2):
    n = sub_adj.shape[0]
    # SignedMaskPerturbation.train_forward: scatter mask entries symmetrically
    full_mask = jnp.zeros((n, n), dtype=sub_adj.dtype)
    full_mask = full_mask.at[plan_rows, plan_cols].set(M)
    full_mask = full_mask.at[plan_cols, plan_rows].set(M)
    # ste_perturbed_adj
    continuous_mask = jnp.tanh(full_mask)
    discrete_decision = jax.lax.stop_gradient(
        jnp.where(continuous_mask > 0.5, 1.0,
                  jnp.where(continuous_mask < -0.5, -1.0, 0.0)))
    perturbed_adj_discrete = jax.lax.stop_gradient(
        jnp.where(discrete_decision > 0.5, jnp.ones_like(sub_adj),
                  jnp.where(discrete_decision < -0.5, jnp.zeros_like(sub_adj), sub_adj)))
    perturbed_adj = perturbed_adj_discrete + (continuous_mask - jax.lax.stop_gradient(continuous_mask))
    # symmetric normalization with self loops
    A_tilde = perturbed_adj + jnp.eye(n, dtype=sub_adj.dtype)
    deg = jnp.sum(A_tilde, axis=1)
    D_tilde = jax.lax.stop_gradient(jnp.diag(deg))
    D_tilde_exp = D_tilde ** (-0.5)
    D_tilde_exp = jnp.where(jnp.isinf(D_tilde_exp), 0.0, D_tilde_exp)
    norm_adj = jnp.matmul(jnp.matmul(D_tilde_exp, A_tilde), D_tilde_exp)
    # 2-layer GCN
    h = jnp.maximum(jnp.matmul(norm_adj, jnp.matmul(x, W1)) + b1, 0.0)
    out = jnp.matmul(norm_adj, jnp.matmul(h, W2)) + b2
    return jax.nn.log_softmax(out, axis=1)

if __name__ == "__main__":
    import jax
    _d = setup_inputs()
    print(jax.jit(kernel)(*tuple(_d.values())))

</pallas_src>

<mosaic_0001>
#map = affine_map<(d0, d1) -> (0)>
#map1 = affine_map<(d0, d1) -> (0, 0)>
module attributes {stable_mosaic.version = 14 : i64} {
  func.func @sc_kernel(%arg0: i32, %arg1: i32, %arg2: memref<4192xi32, #tpu.memory_space<hbm>>, %arg3: memref<4192xi32, #tpu.memory_space<hbm>>, %arg4: memref<4192xf32, #tpu.memory_space<hbm>>, %arg5: memref<8704xi32, #tpu.memory_space<hbm>>, %arg6: memref<8704xi32, #tpu.memory_space<hbm>>, %arg7: memref<8704xf32, #tpu.memory_space<hbm>>, %arg8: memref<32x16xi32, #tpu.memory_space<hbm>>, %arg9: memref<4352xi32, #tpu.memory_space<vmem>>, %arg10: memref<4352xi32, #tpu.memory_space<vmem>>, %arg11: memref<4352xf32, #tpu.memory_space<vmem>>, %arg12: memref<288xi32, #tpu.memory_space<vmem>>, %arg13: memref<288xi32, #tpu.memory_space<vmem>>, %arg14: memref<288xf32, #tpu.memory_space<vmem>>, %arg15: memref<16xi32, #tpu.memory_space<vmem>>, %arg16: memref<!tpu.dma_semaphore, #tpu.memory_space<semaphore_mem>>) attributes {dimension_semantics = [#tpu.dimension_semantics<core_parallel>, #tpu.dimension_semantics<subcore_parallel>], iteration_bounds = array<i64: 2, 16>, scalar_prefetch = 0 : i64, scratch_operands = 8 : i64, tpu.core_type = #tpu.core_type<sc_vector_subcore>, window_params = [{transform_indices = #map}, {transform_indices = #map}, {transform_indices = #map}, {transform_indices = #map}, {transform_indices = #map}, {transform_indices = #map}, {transform_indices = #map1}]} {
    %mul3A = arith.constant 2 : i32
    %mul3A_0 = arith.muli %arg1, %mul3A : i32
    %add3A = arith.addi %mul3A_0, %arg0 : i32
    %ge3A = arith.constant 16 : i32
    %ge3A_1 = arith.cmpi sge, %add3A, %ge3A : i32
    %jit3A = arith.constant 16 : i32
    %eq3A = arith.constant 0 : i32
    %eq3A_2 = arith.cmpi eq, %jit3A, %eq3A : i32
    %jit3A_3 = arith.constant 1 : i32
    %select_n3A = arith.select %eq3A_2, %jit3A_3, %jit3A : i32
    %rem3A = arith.remsi %add3A, %select_n3A : i32
    %ne3A = arith.constant 0 : i32
    %ne3A_4 = arith.cmpi ne, %rem3A, %ne3A : i32
    %lt3A = arith.constant 0 : i32
    %lt3A_5 = arith.cmpi slt, %rem3A, %lt3A : i32
    %lt3A_6 = arith.constant 0 : i32
    %lt3A_7 = arith.cmpi slt, %select_n3A, %lt3A_6 : i32
    %ne3A_8 = arith.xori %lt3A_5, %lt3A_7 : i1
    %and3A = arith.andi %ne3A_8, %ne3A_4 : i1
    %add3A_9 = arith.addi %rem3A, %select_n3A : i32
    %select_n3A_10 = arith.select %and3A, %add3A_9, %rem3A : i32
    %mul3A_11 = arith.constant 262 : i32
    %mul3A_12 = arith.muli %select_n3A_10, %mul3A_11 : i32
    %dma_start3A = arith.constant 0 : i32
    %dma_start3A_13 = tpu.memref_slice %arg9[%dma_start3A] : memref<4352xi32, #tpu.memory_space<vmem>> -> memref<4192xi32, #tpu.memory_space<vmem>>
    %dma_start3A_14 = arith.constant 0 : i32
    %dma_start3A_15 = tpu.memref_slice %arg9[%dma_start3A_14] : memref<4352xi32, #tpu.memory_space<vmem>> -> memref<4192xi32, #tpu.memory_space<vmem>>
    tpu.enqueue_dma source(%arg2 : memref<4192xi32, #tpu.memory_space<hbm>>) target(%dma_start3A_15 : memref<4192xi32, #tpu.memory_space<vmem>>) target_semaphore(%arg16 : memref<!tpu.dma_semaphore, #tpu.memory_space<semaphore_mem>>)
    %dma_start3A_16 = arith.constant 0 : i32
    %dma_start3A_17 = tpu.memref_slice %arg10[%dma_start3A_16] : memref<4352xi32, #tpu.memory_space<vmem>> -> memref<4192xi32, #tpu.memory_space<vmem>>
    %dma_start3A_18 = arith.constant 0 : i32
    %dma_start3A_19 = tpu.memref_slice %arg10[%dma_start3A_18] : memref<4352xi32, #tpu.memory_space<vmem>> -> memref<4192xi32, #tpu.memory_space<vmem>>
    tpu.enqueue_dma source(%arg3 : memref<4192xi32, #tpu.memory_space<hbm>>) target(%dma_start3A_19 : memref<4192xi32, #tpu.memory_space<vmem>>) target_semaphore(%arg16 : memref<!tpu.dma_semaphore, #tpu.memory_space<semaphore_mem>>)
    %dma_start3A_20 = arith.constant 0 : i32
    %dma_start3A_21 = tpu.memref_slice %arg11[%dma_start3A_20] : memref<4352xf32, #tpu.memory_space<vmem>> -> memref<4192xf32, #tpu.memory_space<vmem>>
    %dma_start3A_22 = arith.constant 0 : i32
    %dma_start3A_23 = tpu.memref_slice %arg11[%dma_start3A_22] : memref<4352xf32, #tpu.memory_space<vmem>> -> memref<4192xf32, #tpu.memory_space<vmem>>
    tpu.enqueue_dma source(%arg4 : memref<4192xf32, #tpu.memory_space<hbm>>) target(%dma_start3A_23 : memref<4192xf32, #tpu.memory_space<vmem>>) target_semaphore(%arg16 : memref<!tpu.dma_semaphore, #tpu.memory_space<semaphore_mem>>)
    %dma_wait3A = arith.constant 0 : i32
    %dma_wait3A_24 = tpu.memref_slice %arg9[%dma_wait3A] : memref<4352xi32, #tpu.memory_space<vmem>> -> memref<4192xi32, #tpu.memory_space<vmem>>
    %dma_wait3A_25 = arith.constant 0 : i32
    %dma_wait3A_26 = tpu.memref_slice %arg9[%dma_wait3A_25] : memref<4352xi32, #tpu.memory_space<vmem>> -> memref<4192xi32, #tpu.memory_space<vmem>>
    tpu.wait_dma2 semaphore(%arg16 : memref<!tpu.dma_semaphore, #tpu.memory_space<semaphore_mem>>) src(%arg2 : memref<4192xi32, #tpu.memory_space<hbm>>) dst(%dma_wait3A_26 : memref<4192xi32, #tpu.memory_space<vmem>>)
    %dma_wait3A_27 = arith.constant 0 : i32
    %dma_wait3A_28 = tpu.memref_slice %arg10[%dma_wait3A_27] : memref<4352xi32, #tpu.memory_space<vmem>> -> memref<4192xi32, #tpu.memory_space<vmem>>
    %dma_wait3A_29 = arith.constant 0 : i32
    %dma_wait3A_30 = tpu.memref_slice %arg10[%dma_wait3A_29] : memref<4352xi32, #tpu.memory_space<vmem>> -> memref<4192xi32, #tpu.memory_space<vmem>>
    tpu.wait_dma2 semaphore(%arg16 : memref<!tpu.dma_semaphore, #tpu.memory_space<semaphore_mem>>) src(%arg3 : memref<4192xi32, #tpu.memory_space<hbm>>) dst(%dma_wait3A_30 : memref<4192xi32, #tpu.memory_space<vmem>>)
    %dma_wait3A_31 = arith.constant 0 : i32
    %dma_wait3A_32 = tpu.memref_slice %arg11[%dma_wait3A_31] : memref<4352xf32, #tpu.memory_space<vmem>> -> memref<4192xf32, #tpu.memory_space<vmem>>
    %dma_wait3A_33 = arith.constant 0 : i32
    %dma_wait3A_34 = tpu.memref_slice %arg11[%dma_wait3A_33] : memref<4352xf32, #tpu.memory_space<vmem>> -> memref<4192xf32, #tpu.memory_space<vmem>>
    tpu.wait_dma2 semaphore(%arg16 : memref<!tpu.dma_semaphore, #tpu.memory_space<semaphore_mem>>) src(%arg4 : memref<4192xf32, #tpu.memory_space<hbm>>) dst(%dma_wait3A_34 : memref<4192xf32, #tpu.memory_space<vmem>>)
    %iota3A = tpu.iota {dimensions = array<i32: 0>} : vector<16xi32>
    %scan3A = arith.constant 0 : i32
    %scan3A_35 = arith.constant 0 : i32
    %scan3A_36 = arith.constant 17 : i32
    %scan3A_37 = arith.addi %scan3A_35, %scan3A_36 : i32
    %scan3A_38 = arith.constant 1 : i32
    %scan3A_39 = scf.for %scan3A_44 = %scan3A_35 to %scan3A_37 step %scan3A_38 iter_args(%scan3A_45 = %scan3A) -> (i32)  : i32 {
      %mul3A_46 = arith.constant 1 : i32
      %mul3A_47 = arith.muli %scan3A_44, %mul3A_46 : i32
      %add3A_48 = arith.constant 0 : i32
      %add3A_49 = arith.addi %add3A_48, %mul3A_47 : i32
      %mul3A_50 = arith.constant 16 : i32
      %mul3A_51 = arith.muli %add3A_49, %mul3A_50 : i32
      %add3A_52 = arith.addi %mul3A_12, %mul3A_51 : i32
      %get3A = arith.index_cast %add3A_52 : i32 to index
      %get3A_53 = tpu.vector_load %arg9[%get3A] {strides = array<i32>} : memref<4352xi32, #tpu.memory_space<vmem>>, vector<16xi32>,
      %get3A_54 = arith.index_cast %add3A_52 : i32 to index
      %get3A_55 = tpu.vector_load %arg10[%get3A_54] {strides = array<i32>} : memref<4352xi32, #tpu.memory_space<vmem>>, vector<16xi32>,
      %get3A_56 = arith.index_cast %add3A_52 : i32 to index
      %get3A_57 = tpu.vector_load %arg11[%get3A_56] {strides = array<i32>} : memref<4352xf32, #tpu.memory_space<vmem>>, vector<16xf32>,
      %select_n3A_58 = arith.select %ge3A_1, %get3A_55, %get3A_53 : vector<16xi32>
      %select_n3A_59 = arith.select %ge3A_1, %get3A_53, %get3A_55 : vector<16xi32>
      %gt3A = arith.constant 0.549306154 : f32
      %gt3A_60 = vector.broadcast %gt3A : f32 to vector<16xf32>
      %gt3A_61 = arith.cmpf ogt, %get3A_57, %gt3A_60 : vector<16xf32>
      %mul3A_62 = arith.constant 16 : i32
      %mul3A_63 = arith.muli %add3A_49, %mul3A_62 : i32
      %add3A_64 = vector.broadcast %mul3A_63 : i32 to vector<16xi32>
      %add3A_65 = arith.addi %add3A_64, %iota3A : vector<16xi32>
      %lt3A_66 = arith.constant 262 : i32
      %lt3A_67 = vector.broadcast %lt3A_66 : i32 to vector<16xi32>
      %lt3A_68 = arith.cmpi slt, %add3A_65, %lt3A_67 : vector<16xi32>
      %lt3A_69 = arith.constant -0.549306154 : f32
      %lt3A_70 = vector.broadcast %lt3A_69 : f32 to vector<16xf32>
      %lt3A_71 = arith.cmpf olt, %get3A_57, %lt3A_70 : vector<16xf32>
      %or3A = arith.ori %gt3A_61, %lt3A_71 : vector<16xi1>
      %and3A_72 = arith.andi %or3A, %lt3A_68 : vector<16xi1>
      %jit3A_73 = arith.constant 1.000000e+00 : f32
      %jit3A_74 = arith.constant 0.000000e+00 : f32
      %broadcast_in_dim3A_75 = vector.broadcast %jit3A_73 : f32 to vector<16xf32>
      %broadcast_in_dim3A_76 = vector.broadcast %jit3A_74 : f32 to vector<16xf32>
      %select_n3A_77 = arith.select %gt3A_61, %broadcast_in_dim3A_75, %broadcast_in_dim3A_76 : vector<16xi1>, vector<16xf32>
      %swap3A_78 = arith.index_cast %scan3A_45 : i32 to index
      %swap3A_79 = tpu.vector_load %arg12[%swap3A_78] masked %and3A_72 {strides = array<i32>} : memref<288xi32, #tpu.memory_space<vmem>>, vector<16xi32>, vector<16xi1>
      tpu.vector_store %arg12[%swap3A_78], %select_n3A_58 masked %and3A_72 {strides = array<i32>} : memref<288xi32, #tpu.memory_space<vmem>>, vector<16xi32>, vector<16xi1>
      %swap3A_80 = arith.index_cast %scan3A_45 : i32 to index
      %swap3A_81 = tpu.vector_load %arg13[%swap3A_80] masked %and3A_72 {strides = array<i32>} : memref<288xi32, #tpu.memory_space<vmem>>, vector<16xi32>, vector<16xi1>
      tpu.vector_store %arg13[%swap3A_80], %select_n3A_59 masked %and3A_72 {strides = array<i32>} : memref<288xi32, #tpu.memory_space<vmem>>, vector<16xi32>, vector<16xi1>
      %swap3A_82 = arith.index_cast %scan3A_45 : i32 to index
      %swap3A_83 = tpu.vector_load %arg14[%swap3A_82] masked %and3A_72 {strides = array<i32>} : memref<288xf32, #tpu.memory_space<vmem>>, vector<16xf32>, vector<16xi1>
      tpu.vector_store %arg14[%swap3A_82], %select_n3A_77 masked %and3A_72 {strides = array<i32>} : memref<288xf32, #tpu.memory_space<vmem>>, vector<16xf32>, vector<16xi1>
      %all_reduce_population_count3A = tpu.all_reduce %and3A_72 {dim = 0 : i64, kind = #tpu.reduction_kind<sum>} : vector<16xi1> -> vector<16xi32>
      %slice3A = vector.extract_strided_slice %all_reduce_population_count3A {offsets = [0], sizes = [1], strides = [1]} : vector<16xi32> to vector<1xi32>
      %squeeze3A = vector.extract %slice3A[0] : i32 from vector<1xi32>
      %add3A_84 = arith.addi %scan3A_45, %squeeze3A : i32
      scf.yield %add3A_84 : i32
    }
    %scan3A_40 = arith.constant 17 : i32
    %broadcast_in_dim3A = vector.broadcast %scan3A_39 : i32 to vector<16xi32>
    %swap3A = arith.constant 0 : index
    %swap3A_41 = tpu.vector_load %arg15[%swap3A] {strides = array<i32>} : memref<16xi32, #tpu.memory_space<vmem>>, vector<16xi32>,
    tpu.vector_store %arg15[%swap3A], %broadcast_in_dim3A {strides = array<i32>} : memref<16xi32, #tpu.memory_space<vmem>>, vector<16xi32>,
    %mul3A_42 = arith.constant 272 : i32
    %mul3A_43 = arith.muli %add3A, %mul3A_42 : i32
    "tpu.region"() ({
      %run_scoped3A = tpu.sem_alloc : memref<!tpu.dma_semaphore, #tpu.memory_space<semaphore_mem>>
      %dma_start3A_44 = arith.constant 0 : i32
      %dma_start3A_45 = tpu.memref_slice %arg12[%dma_start3A_44] : memref<288xi32, #tpu.memory_space<vmem>> -> memref<272xi32, #tpu.memory_space<vmem>>
      %dma_start3A_46 = tpu.memref_slice %arg5[%mul3A_43] : memref<8704xi32, #tpu.memory_space<hbm>> -> memref<272xi32, #tpu.memory_space<hbm>>
      %dma_start3A_47 = tpu.memref_slice %arg5[%mul3A_43] : memref<8704xi32, #tpu.memory_space<hbm>> -> memref<272xi32, #tpu.memory_space<hbm>>
      %dma_start3A_48 = arith.constant 0 : i32
      %dma_start3A_49 = tpu.memref_slice %arg12[%dma_start3A_48] : memref<288xi32, #tpu.memory_space<vmem>> -> memref<272xi32, #tpu.memory_space<vmem>>
      tpu.enqueue_dma source(%dma_start3A_49 : memref<272xi32, #tpu.memory_space<vmem>>) target(%dma_start3A_47 : memref<272xi32, #tpu.memory_space<hbm>>) target_semaphore(%run_scoped3A : memref<!tpu.dma_semaphore, #tpu.memory_space<semaphore_mem>>)
      %dma_wait3A_50 = arith.constant 0 : i32
      %dma_wait3A_51 = tpu.memref_slice %arg12[%dma_wait3A_50] : memref<288xi32, #tpu.memory_space<vmem>> -> memref<272xi32, #tpu.memory_space<vmem>>
      %dma_wait3A_52 = tpu.memref_slice %arg5[%mul3A_43] : memref<8704xi32, #tpu.memory_space<hbm>> -> memref<272xi32, #tpu.memory_space<hbm>>
      %dma_wait3A_53 = tpu.memref_slice %arg5[%mul3A_43] : memref<8704xi32, #tpu.memory_space<hbm>> -> memref<272xi32, #tpu.memory_space<hbm>>
      %dma_wait3A_54 = arith.constant 0 : i32
      %dma_wait3A_55 = tpu.memref_slice %arg12[%dma_wait3A_54] : memref<288xi32, #tpu.memory_space<vmem>> -> memref<272xi32, #tpu.memory_space<vmem>>
      tpu.wait_dma2 semaphore(%run_scoped3A : memref<!tpu.dma_semaphore, #tpu.memory_space<semaphore_mem>>) src(%dma_wait3A_55 : memref<272xi32, #tpu.memory_space<vmem>>) dst(%dma_wait3A_53 : memref<272xi32, #tpu.memory_space<hbm>>)
      tpu.yield
    }) : () -> ()
    "tpu.region"() ({
      %run_scoped3A = tpu.sem_alloc : memref<!tpu.dma_semaphore, #tpu.memory_space<semaphore_mem>>
      %dma_start3A_44 = arith.constant 0 : i32
      %dma_start3A_45 = tpu.memref_slice %arg13[%dma_start3A_44] : memref<288xi32, #tpu.memory_space<vmem>> -> memref<272xi32, #tpu.memory_space<vmem>>
      %dma_start3A_46 = tpu.memref_slice %arg6[%mul3A_43] : memref<8704xi32, #tpu.memory_space<hbm>> -> memref<272xi32, #tpu.memory_space<hbm>>
      %dma_start3A_47 = tpu.memref_slice %arg6[%mul3A_43] : memref<8704xi32, #tpu.memory_space<hbm>> -> memref<272xi32, #tpu.memory_space<hbm>>
      %dma_start3A_48 = arith.constant 0 : i32
      %dma_start3A_49 = tpu.memref_slice %arg13[%dma_start3A_48] : memref<288xi32, #tpu.memory_space<vmem>> -> memref<272xi32, #tpu.memory_space<vmem>>
      tpu.enqueue_dma source(%dma_start3A_49 : memref<272xi32, #tpu.memory_space<vmem>>) target(%dma_start3A_47 : memref<272xi32, #tpu.memory_space<hbm>>) target_semaphore(%run_scoped3A : memref<!tpu.dma_semaphore, #tpu.memory_space<semaphore_mem>>)
      %dma_wait3A_50 = arith.constant 0 : i32
      %dma_wait3A_51 = tpu.memref_slice %arg13[%dma_wait3A_50] : memref<288xi32, #tpu.memory_space<vmem>> -> memref<272xi32, #tpu.memory_space<vmem>>
      %dma_wait3A_52 = tpu.memref_slice %arg6[%mul3A_43] : memref<8704xi32, #tpu.memory_space<hbm>> -> memref<272xi32, #tpu.memory_space<hbm>>
      %dma_wait3A_53 = tpu.memref_slice %arg6[%mul3A_43] : memref<8704xi32, #tpu.memory_space<hbm>> -> memref<272xi32, #tpu.memory_space<hbm>>
      %dma_wait3A_54 = arith.constant 0 : i32
      %dma_wait3A_55 = tpu.memref_slice %arg13[%dma_wait3A_54] : memref<288xi32, #tpu.memory_space<vmem>> -> memref<272xi32, #tpu.memory_space<vmem>>
      tpu.wait_dma2 semaphore(%run_scoped3A : memref<!tpu.dma_semaphore, #tpu.memory_space<semaphore_mem>>) src(%dma_wait3A_55 : memref<272xi32, #tpu.memory_space<vmem>>) dst(%dma_wait3A_53 : memref<272xi32, #tpu.memory_space<hbm>>)
      tpu.yield
    }) : () -> ()
    "tpu.region"() ({
      %run_scoped3A = tpu.sem_alloc : memref<!tpu.dma_semaphore, #tpu.memory_space<semaphore_mem>>
      %dma_start3A_44 = arith.constant 0 : i32
      %dma_start3A_45 = tpu.memref_slice %arg14[%dma_start3A_44] : memref<288xf32, #tpu.memory_space<vmem>> -> memref<272xf32, #tpu.memory_space<vmem>>
      %dma_start3A_46 = tpu.memref_slice %arg7[%mul3A_43] : memref<8704xf32, #tpu.memory_space<hbm>> -> memref<272xf32, #tpu.memory_space<hbm>>
      %dma_start3A_47 = tpu.memref_slice %arg7[%mul3A_43] : memref<8704xf32, #tpu.memory_space<hbm>> -> memref<272xf32, #tpu.memory_space<hbm>>
      %dma_start3A_48 = arith.constant 0 : i32
      %dma_start3A_49 = tpu.memref_slice %arg14[%dma_start3A_48] : memref<288xf32, #tpu.memory_space<vmem>> -> memref<272xf32, #tpu.memory_space<vmem>>
      tpu.enqueue_dma source(%dma_start3A_49 : memref<272xf32, #tpu.memory_space<vmem>>) target(%dma_start3A_47 : memref<272xf32, #tpu.memory_space<hbm>>) target_semaphore(%run_scoped3A : memref<!tpu.dma_semaphore, #tpu.memory_space<semaphore_mem>>)
      %dma_wait3A_50 = arith.constant 0 : i32
      %dma_wait3A_51 = tpu.memref_slice %arg14[%dma_wait3A_50] : memref<288xf32, #tpu.memory_space<vmem>> -> memref<272xf32, #tpu.memory_space<vmem>>
      %dma_wait3A_52 = tpu.memref_slice %arg7[%mul3A_43] : memref<8704xf32, #tpu.memory_space<hbm>> -> memref<272xf32, #tpu.memory_space<hbm>>
      %dma_wait3A_53 = tpu.memref_slice %arg7[%mul3A_43] : memref<8704xf32, #tpu.memory_space<hbm>> -> memref<272xf32, #tpu.memory_space<hbm>>
      %dma_wait3A_54 = arith.constant 0 : i32
      %dma_wait3A_55 = tpu.memref_slice %arg14[%dma_wait3A_54] : memref<288xf32, #tpu.memory_space<vmem>> -> memref<272xf32, #tpu.memory_space<vmem>>
      tpu.wait_dma2 semaphore(%run_scoped3A : memref<!tpu.dma_semaphore, #tpu.memory_space<semaphore_mem>>) src(%dma_wait3A_55 : memref<272xf32, #tpu.memory_space<vmem>>) dst(%dma_wait3A_53 : memref<272xf32, #tpu.memory_space<hbm>>)
      tpu.yield
    }) : () -> ()
    "tpu.region"() ({
      %run_scoped3A = tpu.sem_alloc : memref<!tpu.dma_semaphore, #tpu.memory_space<semaphore_mem>>
      %dma_start3A_44 = arith.constant 0 : i32
      %dma_start3A_45 = tpu.memref_slice %arg8[%add3A, %dma_start3A_44] : memref<32x16xi32, #tpu.memory_space<hbm>> -> memref<1x16xi32, #tpu.memory_space<hbm>>
      %dma_start3A_46 = tpu.memref_squeeze %dma_start3A_45 : memref<1x16xi32, #tpu.memory_space<hbm>> -> memref<16xi32, #tpu.memory_space<hbm>>
      %dma_start3A_47 = arith.constant 0 : i32
      %dma_start3A_48 = tpu.memref_slice %arg8[%add3A, %dma_start3A_47] : memref<32x16xi32, #tpu.memory_space<hbm>> -> memref<1x16xi32, #tpu.memory_space<hbm>>
      %dma_start3A_49 = tpu.memref_squeeze %dma_start3A_48 : memref<1x16xi32, #tpu.memory_space<hbm>> -> memref<16xi32, #tpu.memory_space<hbm>>
      tpu.enqueue_dma source(%arg15 : memref<16xi32, #tpu.memory_space<vmem>>) target(%dma_start3A_49 : memref<16xi32, #tpu.memory_space<hbm>>) target_semaphore(%run_scoped3A : memref<!tpu.dma_semaphore, #tpu.memory_space<semaphore_mem>>)
      %dma_wait3A_50 = arith.constant 0 : i32
      %dma_wait3A_51 = tpu.memref_slice %arg8[%add3A, %dma_wait3A_50] : memref<32x16xi32, #tpu.memory_space<hbm>> -> memref<1x16xi32, #tpu.memory_space<hbm>>
      %dma_wait3A_52 = tpu.memref_squeeze %dma_wait3A_51 : memref<1x16xi32, #tpu.memory_space<hbm>> -> memref<16xi32, #tpu.memory_space<hbm>>
      %dma_wait3A_53 = arith.constant 0 : i32
      %dma_wait3A_54 = tpu.memref_slice %arg8[%add3A, %dma_wait3A_53] : memref<32x16xi32, #tpu.memory_space<hbm>> -> memref<1x16xi32, #tpu.memory_space<hbm>>
      %dma_wait3A_55 = tpu.memref_squeeze %dma_wait3A_54 : memref<1x16xi32, #tpu.memory_space<hbm>> -> memref<16xi32, #tpu.memory_space<hbm>>
      tpu.wait_dma2 semaphore(%run_scoped3A : memref<!tpu.dma_semaphore, #tpu.memory_space<semaphore_mem>>) src(%arg15 : memref<16xi32, #tpu.memory_space<vmem>>) dst(%dma_wait3A_55 : memref<16xi32, #tpu.memory_space<hbm>>)
      tpu.yield
    }) : () -> ()
    return
  }
}

module attributes {stable_mosaic.version = 14 : i64} {
  func.func @body(%arg0: memref<2048x2048xf32, #tpu.memory_space<any>>, %arg1: memref<8704xi32, #tpu.memory_space<smem>>, %arg2: memref<8704xi32, #tpu.memory_space<smem>>, %arg3: memref<8704xf32, #tpu.memory_space<smem>>, %arg4: memref<32x16xi32, #tpu.memory_space<smem>>, %arg5: memref<2048x512xf32, #tpu.memory_space<vmem>>, %arg6: memref<512x128xf32, #tpu.memory_space<vmem>>, %arg7: memref<128xf32, #tpu.memory_space<vmem>>, %arg8: memref<128x16xf32, #tpu.memory_space<vmem>>, %arg9: memref<16xf32, #tpu.memory_space<vmem>>, %arg10: memref<2048x16xf32, #tpu.memory_space<vmem>>, %arg11: memref<2048x2048xf32, #tpu.memory_space<vmem>>, %arg12: memref<!tpu.dma_semaphore, #tpu.memory_space<semaphore_mem>>) attributes {dimension_semantics = [], scalar_prefetch = 0 : i64, scratch_operands = 2 : i64, tpu.core_type = #tpu.core_type<tc>} {
    tpu.enqueue_dma source(%arg0 : memref<2048x2048xf32, #tpu.memory_space<any>>) target(%arg11 : memref<2048x2048xf32, #tpu.memory_space<vmem>>) target_semaphore(%arg12 : memref<!tpu.dma_semaphore, #tpu.memory_space<semaphore_mem>>)
    %get3A = arith.constant 0 : index
    %get3A_0 = arith.constant 0 : index
    %get3A_1 = vector.load %arg5[%get3A, %get3A_0] : memref<2048x512xf32, #tpu.memory_space<vmem>>, vector<2048x512xf32>
    %get3A_2 = arith.constant 0 : index
    %get3A_3 = arith.constant 0 : index
    %get3A_4 = vector.load %arg6[%get3A_2, %get3A_3] : memref<512x128xf32, #tpu.memory_space<vmem>>, vector<512x128xf32>
    %dot_general3A = arith.constant dense<0.000000e+00> : vector<2048x128xf32>
    %dot_general3A_5 = tpu.matmul %get3A_1, %get3A_4, %dot_general3A {dimension_numbers = #tpu.dot_dimension_numbers<[1], [0], [0], [1], [0, 0, 1, 1], [], []>, transpose_lhs_hint = false} : vector<2048x512xf32>, vector<512x128xf32>, vector<2048x128xf32> -> vector<2048x128xf32>
    tpu.wait_dma2 semaphore(%arg12 : memref<!tpu.dma_semaphore, #tpu.memory_space<semaphore_mem>>) src(%arg0 : memref<2048x2048xf32, #tpu.memory_space<any>>) dst(%arg11 : memref<2048x2048xf32, #tpu.memory_space<vmem>>)
    %scan3A = arith.constant 0 : i32
    %scan3A_6 = arith.constant 32 : i32
    %scan3A_7 = arith.addi %scan3A, %scan3A_6 : i32
    %scan3A_8 = arith.constant 1 : i32
    scf.for %scan3A_57 = %scan3A to %scan3A_7 step %scan3A_8  : i32 {
      %mul3A_58 = arith.constant 1 : i32
      %mul3A_59 = arith.muli %scan3A_57, %mul3A_58 : i32
      %add3A_60 = arith.constant 0 : i32
      %add3A_61 = arith.addi %add3A_60, %mul3A_59 : i32
      %get3A_62 = arith.index_cast %add3A_61 : i32 to index
      %get3A_63 = arith.constant 0 : index
      %get3A_64 = memref.load %arg4[%get3A_62, %get3A_63] : memref<32x16xi32, #tpu.memory_space<smem>>
      %sub3A_65 = arith.constant 0 : i32
      %sub3A_66 = arith.subi %get3A_64, %sub3A_65 : i32
      %sub3A_67 = arith.constant 1 : i32
      %sub3A_68 = arith.constant 1 : i32
      %sub3A_69 = arith.subi %sub3A_67, %sub3A_68 : i32
      %add3A_70 = arith.addi %sub3A_66, %sub3A_69 : i32
      %div3A = arith.constant 1 : i32
      %div3A_71 = arith.divsi %add3A_70, %div3A : i32
      %while3A = arith.constant 1 : i32
      %while3A_72 = arith.constant 0 : i32
      %while3A_73 = arith.constant 0 : i32
      %while3A_74 = arith.subi %div3A_71, %while3A_73 : i32
      %while3A_75 = arith.addi %while3A_73, %while3A_74 : i32
      %while3A_76 = arith.constant 1 : i32
      %while3A_77 = arith.divsi %while3A_74, %while3A_76 : i32
      %while3A_78 = arith.muli %while3A_77, %while3A_76 : i32
      %while3A_79 = arith.addi %while3A_73, %while3A_78 : i32
      %while3A_80 = arith.constant 1 : i32
      scf.for %while3A_82 = %while3A_73 to %while3A_79 step %while3A_80  : i32 {
        %mul3A_83 = arith.muli %while3A_82, %while3A : i32
        %add3A_84 = arith.addi %while3A_72, %mul3A_83 : i32
        %mul3A_85 = arith.constant 272 : i32
        %mul3A_86 = arith.muli %add3A_61, %mul3A_85 : i32
        %add3A_87 = arith.addi %mul3A_86, %add3A_84 : i32
        %get3A_88 = arith.index_cast %add3A_87 : i32 to index
        %get3A_89 = memref.load %arg1[%get3A_88] : memref<8704xi32, #tpu.memory_space<smem>>
        %get3A_90 = arith.index_cast %add3A_87 : i32 to index
        %get3A_91 = memref.load %arg2[%get3A_90] : memref<8704xi32, #tpu.memory_space<smem>>
        %get3A_92 = arith.index_cast %add3A_87 : i32 to index
        %get3A_93 = memref.load %arg3[%get3A_92] : memref<8704xf32, #tpu.memory_space<smem>>
        %jit3A = arith.constant 8 : i32
        %div3A_94 = arith.divsi %get3A_89, %jit3A : i32
        %sign3A = arith.constant 0 : i32
        %sign3A_95 = arith.cmpi sgt, %get3A_89, %sign3A : i32
        %sign3A_96 = arith.extui %sign3A_95 : i1 to i32
        %sign3A_97 = arith.constant 0 : i32
        %sign3A_98 = arith.cmpi slt, %get3A_89, %sign3A_97 : i32
        %sign3A_99 = arith.extui %sign3A_98 : i1 to i32
        %sign3A_100 = arith.subi %sign3A_96, %sign3A_99 : i32
        %sign3A_101 = arith.constant 0 : i32
        %sign3A_102 = arith.cmpi sgt, %jit3A, %sign3A_101 : i32
        %sign3A_103 = arith.extui %sign3A_102 : i1 to i32
        %sign3A_104 = arith.constant 0 : i32
        %sign3A_105 = arith.cmpi slt, %jit3A, %sign3A_104 : i32
        %sign3A_106 = arith.extui %sign3A_105 : i1 to i32
        %sign3A_107 = arith.subi %sign3A_103, %sign3A_106 : i32
        %ne3A = arith.cmpi ne, %sign3A_100, %sign3A_107 : i32
        %rem3A = arith.remsi %get3A_89, %jit3A : i32
        %ne3A_108 = arith.constant 0 : i32
        %ne3A_109 = arith.cmpi ne, %rem3A, %ne3A_108 : i32
        %and3A = arith.andi %ne3A, %ne3A_109 : i1
        %sub3A_110 = arith.constant 1 : i32
        %sub3A_111 = arith.subi %div3A_94, %sub3A_110 : i32
        %select_n3A = arith.select %and3A, %sub3A_111, %div3A_94 : i32
        %mul3A_112 = arith.constant 8 : i32
        %mul3A_113 = arith.muli %select_n3A, %mul3A_112 : i32
        %multiple_of3A = tpu.assume_multiple %mul3A_113, 8 : i32
        %get3A_114 = arith.index_cast %multiple_of3A : i32 to index
        %get3A_115 = arith.constant 0 : index
        %get3A_116 = vector.load %arg11[%get3A_114, %get3A_115] : memref<2048x2048xf32, #tpu.memory_space<vmem>>, vector<8x2048xf32>
        %iota3A = tpu.iota {dimensions = array<i32: 0>} : vector<8x2048xi32>
        %iota3A_117 = tpu.iota {dimensions = array<i32: 1>} : vector<8x2048xi32>
        %sub3A_118 = arith.subi %get3A_89, %multiple_of3A : i32
        %eq3A = vector.broadcast %sub3A_118 : i32 to vector<8x2048xi32>
        %eq3A_119 = arith.cmpi eq, %iota3A, %eq3A : vector<8x2048xi32>
        %eq3A_120 = vector.broadcast %get3A_91 : i32 to vector<8x2048xi32>
        %eq3A_121 = arith.cmpi eq, %iota3A_117, %eq3A_120 : vector<8x2048xi32>
        %and3A_122 = arith.andi %eq3A_119, %eq3A_121 : vector<8x2048xi1>
        %broadcast_in_dim3A_123 = vector.broadcast %get3A_93 : f32 to vector<8x2048xf32>
        %select_n3A_124 = arith.select %and3A_122, %broadcast_in_dim3A_123, %get3A_116 : vector<8x2048xi1>, vector<8x2048xf32>
        %swap3A_125 = arith.index_cast %multiple_of3A : i32 to index
        %swap3A_126 = arith.constant 0 : index
        %swap3A_127 = vector.load %arg11[%swap3A_125, %swap3A_126] : memref<2048x2048xf32, #tpu.memory_space<vmem>>, vector<8x2048xf32>
        tpu.vector_store %arg11[%swap3A_125, %swap3A_126], %select_n3A_124 {strides = array<i32>} : memref<2048x2048xf32, #tpu.memory_space<vmem>>, vector<8x2048xf32>,
      }
      %while3A_81 = arith.constant 1 : i32
      scf.for %while3A_82 = %while3A_79 to %while3A_75 step %while3A_81  : i32 {
        %mul3A_83 = arith.muli %while3A_82, %while3A : i32
        %add3A_84 = arith.addi %while3A_72, %mul3A_83 : i32
        %mul3A_85 = arith.constant 272 : i32
        %mul3A_86 = arith.muli %add3A_61, %mul3A_85 : i32
        %add3A_87 = arith.addi %mul3A_86, %add3A_84 : i32
        %get3A_88 = arith.index_cast %add3A_87 : i32 to index
        %get3A_89 = memref.load %arg1[%get3A_88] : memref<8704xi32, #tpu.memory_space<smem>>
        %get3A_90 = arith.index_cast %add3A_87 : i32 to index
        %get3A_91 = memref.load %arg2[%get3A_90] : memref<8704xi32, #tpu.memory_space<smem>>
        %get3A_92 = arith.index_cast %add3A_87 : i32 to index
        %get3A_93 = memref.load %arg3[%get3A_92] : memref<8704xf32, #tpu.memory_space<smem>>
        %jit3A = arith.constant 8 : i32
        %div3A_94 = arith.divsi %get3A_89, %jit3A : i32
        %sign3A = arith.constant 0 : i32
        %sign3A_95 = arith.cmpi sgt, %get3A_89, %sign3A : i32
        %sign3A_96 = arith.extui %sign3A_95 : i1 to i32
        %sign3A_97 = arith.constant 0 : i32
        %sign3A_98 = arith.cmpi slt, %get3A_89, %sign3A_97 : i32
        %sign3A_99 = arith.extui %sign3A_98 : i1 to i32
        %sign3A_100 = arith.subi %sign3A_96, %sign3A_99 : i32
        %sign3A_101 = arith.constant 0 : i32
        %sign3A_102 = arith.cmpi sgt, %jit3A, %sign3A_101 : i32
        %sign3A_103 = arith.extui %sign3A_102 : i1 to i32
        %sign3A_104 = arith.constant 0 : i32
        %sign3A_105 = arith.cmpi slt, %jit3A, %sign3A_104 : i32
        %sign3A_106 = arith.extui %sign3A_105 : i1 to i32
        %sign3A_107 = arith.subi %sign3A_103, %sign3A_106 : i32
        %ne3A = arith.cmpi ne, %sign3A_100, %sign3A_107 : i32
        %rem3A = arith.remsi %get3A_89, %jit3A : i32
        %ne3A_108 = arith.constant 0 : i32
        %ne3A_109 = arith.cmpi ne, %rem3A, %ne3A_108 : i32
        %and3A = arith.andi %ne3A, %ne3A_109 : i1
        %sub3A_110 = arith.constant 1 : i32
        %sub3A_111 = arith.subi %div3A_94, %sub3A_110 : i32
        %select_n3A = arith.select %and3A, %sub3A_111, %div3A_94 : i32
        %mul3A_112 = arith.constant 8 : i32
        %mul3A_113 = arith.muli %select_n3A, %mul3A_112 : i32
        %multiple_of3A = tpu.assume_multiple %mul3A_113, 8 : i32
        %get3A_114 = arith.index_cast %multiple_of3A : i32 to index
        %get3A_115 = arith.constant 0 : index
        %get3A_116 = vector.load %arg11[%get3A_114, %get3A_115] : memref<2048x2048xf32, #tpu.memory_space<vmem>>, vector<8x2048xf32>
        %iota3A = tpu.iota {dimensions = array<i32: 0>} : vector<8x2048xi32>
        %iota3A_117 = tpu.iota {dimensions = array<i32: 1>} : vector<8x2048xi32>
        %sub3A_118 = arith.subi %get3A_89, %multiple_of3A : i32
        %eq3A = vector.broadcast %sub3A_118 : i32 to vector<8x2048xi32>
        %eq3A_119 = arith.cmpi eq, %iota3A, %eq3A : vector<8x2048xi32>
        %eq3A_120 = vector.broadcast %get3A_91 : i32 to vector<8x2048xi32>
        %eq3A_121 = arith.cmpi eq, %iota3A_117, %eq3A_120 : vector<8x2048xi32>
        %and3A_122 = arith.andi %eq3A_119, %eq3A_121 : vector<8x2048xi1>
        %broadcast_in_dim3A_123 = vector.broadcast %get3A_93 : f32 to vector<8x2048xf32>
        %select_n3A_124 = arith.select %and3A_122, %broadcast_in_dim3A_123, %get3A_116 : vector<8x2048xi1>, vector<8x2048xf32>
        %swap3A_125 = arith.index_cast %multiple_of3A : i32 to index
        %swap3A_126 = arith.constant 0 : index
        %swap3A_127 = vector.load %arg11[%swap3A_125, %swap3A_126] : memref<2048x2048xf32, #tpu.memory_space<vmem>>, vector<8x2048xf32>
        tpu.vector_store %arg11[%swap3A_125, %swap3A_126], %select_n3A_124 {strides = array<i32>} : memref<2048x2048xf32, #tpu.memory_space<vmem>>, vector<8x2048xf32>,
      }
    }
    %scan3A_9 = arith.constant 32 : i32
    %get3A_10 = arith.constant 0 : index
    %get3A_11 = arith.constant 0 : index
    %get3A_12 = vector.load %arg11[%get3A_10, %get3A_11] : memref<2048x2048xf32, #tpu.memory_space<vmem>>, vector<2048x2048xf32>
    %reduce_sum3A = arith.constant dense<0.000000e+00> : vector<2048xf32>
    %reduce_sum3A_13 = vector.multi_reduction <add>, %get3A_12, %reduce_sum3A [1] : vector<2048x2048xf32> to vector<2048xf32>
    %add3A = arith.constant 1.000000e+00 : f32
    %add3A_14 = vector.broadcast %add3A : f32 to vector<2048xf32>
    %add3A_15 = arith.addf %reduce_sum3A_13, %add3A_14 : vector<2048xf32>
    %rsqrt3A = math.rsqrt %add3A_15 : vector<2048xf32>
    %broadcast_in_dim3A = vector.shape_cast %rsqrt3A : vector<2048xf32> to vector<2048x1xf32>
    %mul3A = vector.broadcast %broadcast_in_dim3A : vector<2048x1xf32> to vector<2048x128xf32>
    %mul3A_16 = arith.mulf %dot_general3A_5, %mul3A : vector<2048x128xf32>
    %dot_general3A_17 = arith.constant dense<0.000000e+00> : vector<2048x128xf32>
    %dot_general3A_18 = tpu.matmul %get3A_12, %mul3A_16, %dot_general3A_17 {dimension_numbers = #tpu.dot_dimension_numbers<[1], [0], [0], [1], [0, 0, 1, 1], [], []>, transpose_lhs_hint = false} : vector<2048x2048xf32>, vector<2048x128xf32>, vector<2048x128xf32> -> vector<2048x128xf32>
    %add3A_19 = arith.addf %dot_general3A_18, %mul3A_16 : vector<2048x128xf32>
    %mul3A_20 = vector.broadcast %broadcast_in_dim3A : vector<2048x1xf32> to vector<2048x128xf32>
    %mul3A_21 = arith.mulf %add3A_19, %mul3A_20 : vector<2048x128xf32>
    %get3A_22 = arith.constant 0 : index
    %get3A_23 = vector.load %arg7[%get3A_22] : memref<128xf32, #tpu.memory_space<vmem>>, vector<128xf32>
    %broadcast_in_dim3A_24 = vector.shape_cast %get3A_23 : vector<128xf32> to vector<1x128xf32>
    %add3A_25 = vector.broadcast %broadcast_in_dim3A_24 : vector<1x128xf32> to vector<2048x128xf32>
    %add3A_26 = arith.addf %mul3A_21, %add3A_25 : vector<2048x128xf32>
    %max3A = arith.constant 0.000000e+00 : f32
    %max3A_27 = vector.broadcast %max3A : f32 to vector<2048x128xf32>
    %max3A_28 = arith.maximumf %add3A_26, %max3A_27 : vector<2048x128xf32>
    %get3A_29 = arith.constant 0 : index
    %get3A_30 = arith.constant 0 : index
    %get3A_31 = vector.load %arg8[%get3A_29, %get3A_30] : memref<128x16xf32, #tpu.memory_space<vmem>>, vector<128x16xf32>
    %dot_general3A_32 = arith.constant dense<0.000000e+00> : vector<2048x16xf32>
    %dot_general3A_33 = tpu.matmul %max3A_28, %get3A_31, %dot_general3A_32 {dimension_numbers = #tpu.dot_dimension_numbers<[1], [0], [0], [1], [0, 0, 1, 1], [], []>, transpose_lhs_hint = false} : vector<2048x128xf32>, vector<128x16xf32>, vector<2048x16xf32> -> vector<2048x16xf32>
    %mul3A_34 = vector.broadcast %broadcast_in_dim3A : vector<2048x1xf32> to vector<2048x16xf32>
    %mul3A_35 = arith.mulf %dot_general3A_33, %mul3A_34 : vector<2048x16xf32>
    %dot_general3A_36 = arith.constant dense<0.000000e+00> : vector<2048x16xf32>
    %dot_general3A_37 = tpu.matmul %get3A_12, %mul3A_35, %dot_general3A_36 {dimension_numbers = #tpu.dot_dimension_numbers<[1], [0], [0], [1], [0, 0, 1, 1], [], []>, transpose_lhs_hint = false} : vector<2048x2048xf32>, vector<2048x16xf32>, vector<2048x16xf32> -> vector<2048x16xf32>
    %add3A_38 = arith.addf %dot_general3A_37, %mul3A_35 : vector<2048x16xf32>
    %mul3A_39 = vector.broadcast %broadcast_in_dim3A : vector<2048x1xf32> to vector<2048x16xf32>
    %mul3A_40 = arith.mulf %add3A_38, %mul3A_39 : vector<2048x16xf32>
    %get3A_41 = arith.constant 0 : index
    %get3A_42 = vector.load %arg9[%get3A_41] : memref<16xf32, #tpu.memory_space<vmem>>, vector<16xf32>
    %broadcast_in_dim3A_43 = vector.shape_cast %get3A_42 : vector<16xf32> to vector<1x16xf32>
    %add3A_44 = vector.broadcast %broadcast_in_dim3A_43 : vector<1x16xf32> to vector<2048x16xf32>
    %add3A_45 = arith.addf %mul3A_40, %add3A_44 : vector<2048x16xf32>
    %reduce_max3A = arith.constant dense<0xFF800000> : vector<2048xf32>
    %reduce_max3A_46 = vector.multi_reduction <maximumf>, %add3A_45, %reduce_max3A [1] : vector<2048x16xf32> to vector<2048xf32>
    %broadcast_in_dim3A_47 = vector.shape_cast %reduce_max3A_46 : vector<2048xf32> to vector<2048x1xf32>
    %sub3A = vector.broadcast %broadcast_in_dim3A_47 : vector<2048x1xf32> to vector<2048x16xf32>
    %sub3A_48 = arith.subf %add3A_45, %sub3A : vector<2048x16xf32>
    %exp3A = math.exp %sub3A_48 : vector<2048x16xf32>
    %reduce_sum3A_49 = arith.constant dense<0.000000e+00> : vector<2048xf32>
    %reduce_sum3A_50 = vector.multi_reduction <add>, %exp3A, %reduce_sum3A_49 [1] : vector<2048x16xf32> to vector<2048xf32>
    %broadcast_in_dim3A_51 = vector.shape_cast %reduce_sum3A_50 : vector<2048xf32> to vector<2048x1xf32>
    %log3A = math.log %broadcast_in_dim3A_51 : vector<2048x1xf32>
    %add3A_52 = arith.addf %log3A, %broadcast_in_dim3A_47 : vector<2048x1xf32>
    %sub3A_53 = vector.broadcast %add3A_52 : vector<2048x1xf32> to vector<2048x16xf32>
    %sub3A_54 = arith.subf %add3A_45, %sub3A_53 : vector<2048x16xf32>
    %swap3A = arith.constant 0 : index
    %swap3A_55 = arith.constant 0 : index
    %swap3A_56 = vector.load %arg10[%swap3A, %swap3A_55] : memref<2048x16xf32, #tpu.memory_space<vmem>>, vector<2048x16xf32>
    tpu.vector_store %arg10[%swap3A, %swap3A_55], %sub3A_54 {strides = array<i32>} : memref<2048x16xf32, #tpu.memory_space<vmem>>, vector<2048x16xf32>,
    return
  }
}

</mosaic_0001>

<sc_bundles>
// kernel: kernel.4.cloned.1.call-start
scs
__scs_entry_jumppad:
0x0: {  	(pc) =	sbr.rel $0x88, $3  }
0x1: {  	(tag) =	ssettag $0x0;
	lr =	simm.s32 $0x1  }
0x2: {  	[smem:$0x3F98] =	sst lr;
	_ =	strace $0xD0000000  }
0x3: {  	_ = 	snop  }
0x4: {  	_ = 	snop  }
0x5: {  	_ = 	snop  }
0x6: {  	_ = 	snop  }
0x7: {  	_ = 	snop  }
__scs_overlays_trampoline_lowered:
0x8: {  	[smem:$0x3FA7] =	sst s0  }
0x9: {  	[smem:$0x3FA8] =	sst s1  }
0xa: {  	[smem:$0x3FA9] =	sst s2  }
0xb: {  	[smem:$0x3FAA] =	sst s3  }
0xc: {  	[smem:$0x3FAB] =	sst s4  }
0xd: {  	[smem:$0x3FAC] =	sst s5  }
0xe: {  	[smem:$0x3FAD] =	sst s6  }
0xf: {  	[smem:$0x3FAE] =	sst s7  }
0x10: {  	[smem:$0x3FAF] =	sst s8  }
0x11: {  	[smem:$0x3FB0] =	sst s9;
	s0 =	simm.s32 @!p0 $0x0  }
0x12: {  	s1 =	sld [smem:$0x3F96];
	s0 =	simm.s32 @p0 $0x1  }
0x13: {  	[smem:$0x3FB1] =	sst s0;
	s0 =	simm.s32 @!p1 $0x0  }
0x14: {  	s2 =	sld [smem:$0x3F95];
	s0 =	simm.s32 @p1 $0x1  }
0x15: {  	[smem:$0x3FB2] =	sst s0;
	s0 =	simm.s32 @!p2 $0x0  }
0x16: {  	s3 =	sld [smem:$0x3FDB];
	s0 =	simm.s32 @p2 $0x1  }
0x17: {  	s4 =	simm.s32 $0x1BF5;
	[smem:$0x3FB4] =	sst s0  }
0x18: {  	s0 =	sld [smem:$0x3F97];
	_ =	swait.ge [sflag:s4], $0x0  }
0x19: {  	s7 =	sld [smem:$0x3F98]  }
0x1a: {  	s8 =	sadd.s32 $0xFFFFE003, lr  }
0x1b: {  	s9 =	sadd.s32 $0xFFFFFEF7, lr;
	s5 =	simm.s32 $0xFFFFFFFF;
	p2 =	slt.u32 s8, $0xFFFFF086  }
0x1c: {  	p1 =	slt.u32 s9, $0xF7A;
	s5 =	simm.s32 @!p2 $0x0  }
0x1d: {  	s5 =	simm.s32 @p1 $0x1;
	p0 =	seq.s32 s7, s2  }
0x1e: {  	s7 =	smul.u32 @!p0 $0xF7A, s2;
	p2 =	seq.s32 @!p0 s5, $0x0  }
0x1f: {  	s9 =	smul.u32 $0xF7A, s1;
	s8 =	simm.s32 @!p0 $0x1BF5;
	p2 =	por !p2, p0  }
0x20: {  	[sflag:s8] =	ssyncset.s32 @!p0 $0xFFFFF086;
	s6 =	sadd.s32 @!p0 s3, s7;
	s7 =	simm.s32 @!p0 $0x108  }
0x21: {  	s3 =	sadd.s32 s3, s9;
	s6 =	sadd.s32 @!p0 $0x88, s6;
	s7 =	simm.s32 @p2 $0x1082  }
0x22: {  	[simem:s7], [sflag:s8] =	dma.local @!p0 [hbm:s6], $0xF7A  }
0x23: {  	s9 =	sor.u32 $0xD0000000, s2;
	s6 =	simm.s32 $0x108;
	_ =	swait.ge @!p0 [sflag:s8], $0x0  }
0x24: {  	s3 =	sadd.s32 $0x88, s3;
	s6 =	simm.s32 @!p1 $0x1082;
	[sflag:s4] =	ssyncset.s32 $0xFFFFF086  }
0x25: {  	[simem:s6], [sflag:s4] =	dma.local [hbm:s3], $0xF7A  }
0x26: {  	[smem:$0x3F98] =	sst s1;
	(tag) =	ssettag s2;
	_ =	strace s9  }
0x27: {  	s1 =	sld [smem:$0x3FA8]  }
0x28: {  	s2 =	sld [smem:$0x3FA9]  }
0x29: {  	s4 =	sld [smem:$0x3FAB]  }
0x2a: {  	p0 =	seq.s32 s5, $0x0;
	s5 =	sld [smem:$0x3FAC]  }
0x2b: {  	s6 =	sld [smem:$0x3FAD]  }
0x2c: {  	s7 =	sld [smem:$0x3FAE]  }
0x2d: {  	s3 =	simm.s32 $0x108;
	s8 =	sld [smem:$0x3FAF]  }
0x2e: {  	s3 =	simm.s32 @!p0 $0x1082;
	s9 =	sld [smem:$0x3FB0]  }
0x2f: {  	lr =	sadd.s32 s0, s3;
	s0 =	sld [smem:$0x3FA7]  }
0x30: {  	s3 =	sld [smem:$0x3FAA]  }
0x31: {  	[smem:$0x3FB3] =	sst s10  }
0x32: {  	s10 =	sld [smem:$0x3FB1];
	_ =	sdelay $0x3  }
0x33: {  	p0 =	seq.s32 s10, $0x1;
	s10 =	sld [smem:$0x3FB3];
	_ =	sdelay $0x3  }
0x34: {  	[smem:$0x3FB3] =	sst s10  }
0x35: {  	s10 =	sld [smem:$0x3FB2];
	_ =	sdelay $0x3  }
0x36: {  	p1 =	seq.s32 s10, $0x1;
	s10 =	sld [smem:$0x3FB3];
	_ =	sdelay $0x3  }
0x37: {  	[smem:$0x3FB3] =	sst s10  }
0x38: {  	s10 =	sld [smem:$0x3FB4]  }
0x39: {  	_ = 	snop;
	(pc) =	sbr.ind lr, $3  }
0x3a: {  	_ = 	snop  }
0x3b: {  	_ = 	snop  }
0x3c: {  	p2 =	seq.s32 s10, $0x1;
	s10 =	sld [smem:$0x3FB3]  }
0x3d: {  	_ =	shalt  }
0x3e: {  	_ =	shalt  }
0x3f: {  	_ =	shalt  }
0x40: {  	_ =	shalt  }
0x41: {  	_ =	shalt  }
0x42: {  	_ =	shalt  }
0x43: {  	_ =	shalt  }
0x44: {  	_ =	shalt  }
0x45: {  	_ =	shalt  }
0x46: {  	_ =	shalt  }
0x47: {  	_ =	shalt  }
0x48: {  	_ =	shalt  }
0x49: {  	_ =	shalt  }
0x4a: {  	_ =	shalt  }
0x4b: {  	_ =	shalt  }
0x4c: {  	_ =	shalt  }
0x4d: {  	_ =	shalt  }
0x4e: {  	_ =	shalt  }
0x4f: {  	_ =	shalt  }
0x50: {  	_ =	shalt  }
0x51: {  	_ =	shalt  }
0x52: {  	_ =	shalt  }
0x53: {  	_ =	shalt  }
0x54: {  	_ =	shalt  }
0x55: {  	_ =	shalt  }
0x56: {  	_ =	shalt  }
0x57: {  	_ =	shalt  }
0x58: {  	_ =	shalt  }
0x59: {  	_ =	shalt  }
0x5a: {  	_ =	shalt  }
0x5b: {  	_ =	shalt  }
0x5c: {  	_ =	shalt  }
0x5d: {  	_ =	shalt  }
0x5e: {  	_ =	shalt  }
0x5f: {  	_ =	shalt  }
0x60: {  	_ =	shalt  }
0x61: {  	_ =	shalt  }
0x62: {  	_ =	shalt  }
0x63: {  	_ =	shalt  }
0x64: {  	_ =	shalt  }
0x65: {  	_ =	shalt  }
0x66: {  	_ =	shalt  }
0x67: {  	_ =	shalt  }
0x68: {  	_ =	shalt  }
0x69: {  	_ =	shalt  }
0x6a: {  	_ =	shalt  }
0x6b: {  	_ =	shalt  }
0x6c: {  	_ =	shalt  }
0x6d: {  	_ =	shalt  }
0x6e: {  	_ =	shalt  }
0x6f: {  	_ =	shalt  }
0x70: {  	_ =	shalt  }
0x71: {  	_ =	shalt  }
0x72: {  	_ =	shalt  }
0x73: {  	_ =	shalt  }
0x74: {  	_ =	shalt  }
0x75: {  	_ =	shalt  }
0x76: {  	_ =	shalt  }
0x77: {  	_ =	shalt  }
0x78: {  	_ =	shalt  }
0x79: {  	_ =	shalt  }
0x7a: {  	_ =	shalt  }
0x7b: {  	_ =	shalt  }
0x7c: {  	_ =	shalt  }
0x7d: {  	_ =	shalt  }
0x7e: {  	_ =	shalt  }
0x7f: {  	_ =	shalt  }
0x80: {  	_ =	shalt  }
0x81: {  	_ =	shalt  }
0x82: {  	_ =	shalt  }
0x83: {  	_ =	shalt  }
0x84: {  	_ =	shalt  }
0x85: {  	_ =	shalt  }
0x86: {  	_ =	shalt  }
0x87: {  	_ =	shalt  }
.Lfunc_end0:
.L_simem_size_0:
called_computation_lowered:
.L_overlay_start_0:
0x88: {  	s2 =	sld [smem:$0x3FD9]  }
0x89: {  	s3 =	sld [smem:$0x3FFE];
	_ =	sdelay $0x1  }
0x8a: {  	s1 =	srdreg.scid  }
0x8b: {  	s0 =	sand.u32 $0x1, s1  }
0x8c: {  	s17 =	sshll.u32 s0, $0xA;
	s2 =	sadd.s32 s3, s2  }
0x8d: {  	s2 =	sadd.s32 s2, s17  }
0x8e: {  	[smem:$0x3FBF] =	sst s2  }
0x8f: {  	_ = 	snop  }
0x90: {  	s2 =	sld [smem:$0x3FC7]  }
0x91: {  	s18 =	sld [smem:$0x3FC6]  }
0x92: {  	s4 =	sld [smem:$0x3FC5];
	(tm) =	ssettm $0x1  }
0x93: {  	s5 =	sld [smem:$0x3FFB];
	_ =	sdelay $0x3  }
0x94: {  	_ =	strace s5  }
0x95: {  	s5 =	sld [smem:$0x3FFC];
	_ =	sdelay $0x3  }
0x96: {  	_ =	strace s5  }
0x97: {  	s5 =	sld [smem:$0x3FFD];
	_ =	sdelay $0x3  }
0x98: {  	_ =	strace s5  }
0x99: {  	_ =	strace $0x8FFFFFFF  }
0x9a: {  	s19 =	sld [smem:$0x3FDB];
	_ =	sdelay $0x1  }
0x9b: {  	s6 =	simm.s32 $_scs_section_size  }
0x9c: {  	s7 =	simm.s32 $_size__tile_overlayer_lowered;
	s8 =	simm.s32 $_tile_overlayer_lowered  }
0x9d: {  	s22 =	simm.s32 $0x1BFF;
	s21 =	sshll.u32 s8, $0x1;
	s5 =	sadd.s32 s6, s19  }
0x9e: {  	s9 =	simm.s32 $0x0;
	s20 =	sshll.u32 s7, $0x1;
	s7 =	sadd.s32 s21, s5  }
0x9f: {  	[timem:s9], [sflag:s22] =	dma.local [hbm:s7], s20  }
0xa0: {  	_ =	swait.ge [sflag:s22], s20  }
0xa1: {  	s6 =	ssub.s32 $0x0, s20;
	[sflag:s22] =	ssyncset.done $0x0  }
0xa2: {  	[sflag:s22] =	ssyncadd.s32 s6;
	_ =	sdelay $0x1  }
0xa3: {  	s23 =	simm.s32 $0x1B8B  }
0xa4: {  	_ =	swait.ge [sflag:s23], $0x1  }
0xa5: {  	[sflag:s23] =	ssyncset.done $0x0  }
0xa6: {  	s25 =	simm.s32 $0x1B8E;
	s24 =	sld [smem:$0x3FFE];
	[sflag:s23] =	ssyncadd.s32 $0xFFFFFFFF  }
0xa7: {  	s26 =	simm.s32 $execute0_lowered;
	[smem:$0x3FD2] =	sst s25  }
0xa8: {  	s7 =	sshll.u32 s26, $0x1;
	_ =	strace $0x80000046;
	[dreg:$0x1] =	wrdreg $0xFFFFFFFF  }
0xa9: {  	s28 =	simm.s32 $_size_execute0_lowered;
	s5 =	sadd.s32 s5, s7;
	[dreg:$0x0] =	wrdreg $0x0  }
0xaa: {  	s7 =	sshll.u32 s28, $0x1;
	[dreg:$0x2] =	wrdreg s5  }
0xab: {  	[dreg:$0x3] =	wrdreg s7  }
0xac: {  	[dreg:$0x4] =	wrdreg $0xC0  }
0xad: {  	_ =	task [dreg:s9], $0x5FFFF  }
0xae: {  	[dreg:$0x1] =	wrdreg $0xFFFFFFFF  }
0xaf: {  	[dreg:$0x0] =	wrdreg $0x60  }
0xb0: {  	[dreg:$0x2] =	wrdreg s18  }
0xb1: {  	[dreg:$0x3] =	wrdreg s4  }
0xb2: {  	[dreg:$0x4] =	wrdreg s2  }
0xb3: {  	[dreg:$0x5] =	wrdreg s24  }
0xb4: {  	[dreg:$0x6] =	wrdreg $0x9  }
0xb5: {  	_ =	task.clear_ibuf [dreg:s9], $0x7FFFF;
	_ =	strace $0x90000046  }
0xb6: {  	s29 =	simm.s32 $0x9;
	_ =	strace $0x80000048  }
0xb7: {  	_ =	swait.ge [sflag:s29], $0x1  }
0xb8: {  	[sflag:s29] =	ssyncadd.s32 $0xFFFFFFFF  }
0xb9: {  	_ =	strace $0x90000048  }
0xba: {  	_ =	sfence  }
0xbb: {  	s30 =	sld [smem:$0x0];
	_ =	sdelay $0x2  }
0xbc: {  	s31 =	sshll.u32 s1, $0xD;
	s1 =	sshrl.u32 s1, $0x2  }
0xbd: {  	s3 =	sand.u32 $0x4000, s31;
	s1 =	sadd.s32 s1, s30  }
0xbe: {  	s0 =	sor.u32 s3, s0;
	s1 =	sshll.u32 s1, $0x11  }
0xbf: {  	s0 =	sor.u32 s1, s0  }
0xc0: {  	s0 =	sadd.s32 $0x8F2B, s0  }
0xc1: {  	[sflag:s0] =	ssyncadd.remote.s32 $0x1  }
0xc2: {  	_ =	sfence.sel $0xFFFF  }
0xc3: {  	[dreg:$0x0] =	wrdreg $0xFFFFFFFF;
	(pc) =	sbr.abs _section_cstart, $3  }
0xc4: {  	[dreg:$0x1] =	wrdreg $0xFFFFFFFF  }
0xc5: {  	_ =	task.clear_ibuf [dreg:s9], $0x2FFFF;
	_ =	strace $0x9FFFFFFF  }
0xc6: {  	(tm) =	ssettm $0x7FFFFFFF  }
0xc7: {  	_ =	shalt  }
tec
execute0_lowered:
.L_overlay_start_1:
0x0: {  	(tag) =	ssettag $0x1  }
0x1: {  	s1 =	rddreg [dreg:$0x0]  }
0x2: {  	s2 =	rddreg [dreg:$0x1]  }
0x3: {  	s3 =	srdreg.scid;
	s4 =	rddreg [dreg:$0x2]  }
0x4: {  	s0 =	stileid.u32;
	s7 =	rddreg [dreg:$0x3];
	s5 =	simm.s32 $0x0  }
0x5: {  	s14 =	simm.s32 $0x1100;
	s15 =	simm.s32 $0x2200;
	s16 =	simm.s32 $0x1  }
0x6: {  	s17 =	simm.s32 $0x3300;
	s18 =	simm.s32 $0x2;
	s19 =	simm.s32 $0x3480  }
0x7: {  	s20 =	simm.s32 $0x3600;
	s21 =	simm.s32 $0x3780;
	s22 =	simm.s32 $0x0  }
0x8: {  	s6 =	sand.u32 $0x1, s3;
	s31 =	sshll.u32 s0, $0x1;
	s3 =	rddreg [dreg:$0x4]  }
0x9: {  	[smem:$0x7FF] =	sst s5;
	p0 =	sgt.u32 s0, $0x7;
	s8 =	sor.u32 s6, s31  }
0xa: {  	s6 =	ssub.s32 $0x2, s6;
	s9 =	smul.u32 $0x22, s8;
	s10 =	sshll.u32 s8, $0x4  }
0xb: {  	s11 =	sshrl.u32 s6, $0x1;
	s8 =	sand.u32 $0xF, s8;
	s10 =	sadd.s32 s10, s7  }
0xc: {  	v0 =	vlaneseq.u32;
	s11 =	ssub.s32 s6, s11;
	s12 =	smul.u32 $0x418, s8;
	s9 =	sadd.s32 s9, s7  }
0xd: {  	v0 =	vmul.u32 $0xFFFFFFFF, v0;
	s6 =	sadd.s32 $0x800, s9;
	s7 =	sadd.s32 $0xE00, s9;
	s8 =	sadd.s32 $0x1400, s9  }
0xe: {  	s9 =	sadd.s32 $0x1A00, s10;
	s10 =	smax.u32 s11, $0x1;
	s11 =	sshrl.u32 s12, $0x2  }
0xf: {  	v1 =	vimm.f32 $0.0e+00;
	_ =	strace $0x80000047;
	v0 =	vadd.s32 $0x106, v0;
	s12 =	sadd.s32 $0x1100, s11;
	s13 =	sadd.s32 $0x2200, s11  }
.LBB2_1:
0x10: {  	[tilespmem:s5], [sflag:$0x1] =	stream.linear.gather [hbm4b:s1+s5], $0x1060, $0x38;
	[tilespmem:$0x3800] =	vst v63  }
0x11: {  	_ = 	snop  }
0x12: {  	[tilespmem:s14], [sflag:$0x1] =	stream.linear.gather [hbm4b:s2+s5], $0x1060, $0x38;
	[tilespmem:$0x3800] =	vst v63  }
0x13: {  	_ = 	snop  }
0x14: {  	[tilespmem:s15], [sflag:$0x1] =	stream.linear.gather [hbm4b:s4+s5], $0x1060, $0x38;
	[tilespmem:$0x3800] =	vst v63  }
0x15: {  	_ =	swait.ge [sflag:s16], $0x1060  }
0x16: {  	[sflag:s16] =	ssyncset.done $0x0  }
0x17: {  	[sflag:s16] =	ssyncadd.s32 $0xFFFFEFA0  }
0x18: {  	_ =	swait.ge [sflag:s16], $0x1060  }
0x19: {  	[sflag:s16] =	ssyncset.done $0x0  }
0x1a: {  	[sflag:s16] =	ssyncadd.s32 $0xFFFFEFA0  }
0x1b: {  	_ =	swait.ge [sflag:s16], $0x1060  }
0x1c: {  	[sflag:s16] =	ssyncset.done $0x0  }
0x1d: {  	[sflag:s16] =	ssyncadd.s32 $0xFFFFEFA0  }
0x1e: {  	v2 =	vld [tilespmem:s13+$0x0];
	_ =	sdelay $0x1  }
0x1f: {  	v3 =	vld [tilespmem:s11+$0x0]  }
0x20: {  	v4 =	vld [tilespmem:s12+$0x0];
	_ =	sdelay $0x1  }
0x21: {  	v5 =	vmov s5;
	vm0 =	vgt.f32 v2, $5.493061540e-01;
	vm1 =	vlt.f32 v2, $-5.493061540e-01  }
0x22: {  	vm2 =	vlt.u32 v5, v0;
	vm1 =	vmor vm0, vm1  }
0x23: {  	vm1 =	vmand vm2, vm1  }
0x24: {  	v2 =	vpsel p0, v4, v3;
	v3 =	vpsel p0, v3, v4;
	v4 =	vmpcnt.ones.xlane vm1;
	_ =	sdelay $0x1  }
0x25: {  	(v2sf) =	vpush v4, $0x0  }
0x26: {  	[tilespmem:s5+$0x3300] =	vst.msk vm1, v2  }
0x27: {  	v2 =	vsel vm0, $0x3F800000, v1;
	[tilespmem:s5+$0x3480] =	vst.msk vm1, v3  }
0x28: {  	s24 =	sadd.s32 $0x10, s11;
	[tilespmem:s5+$0x3600] =	vst.msk vm1, v2  }
0x29: {  	s25 =	sadd.s32 $0x10, s12;
	v2 =	vld [tilespmem:s24+$0x0]  }
0x2a: {  	s26 =	sadd.s32 $0x10, s13;
	v3 =	vld [tilespmem:s25+$0x0]  }
0x2b: {  	s28 =	simm.s32 $0x10;
	s29 =	simm.s32 $0x20;
	s23 =	simm.s32 $0x0;
	v4 =	vld [tilespmem:s26+$0x0]  }
.LBB2_2:
0x2c: {  	p1 =	sne.s32 s29, $0x100;
	_ =	sdelay $0x3  }
0x2d: {  	v5 =	vmov s28;
	s28 =	smov.u32 s29;
	vm0 =	vgt.f32 v4, $5.493061540e-01;
	vm1 =	vlt.f32 v4, $-5.493061540e-01  }
0x2e: {  	vm2 =	vlt.u32 v5, v0;
	vm1 =	vmor vm0, vm1;
	v4 =	vsel vm0, $0x3F800000, v1  }
0x2f: {  	vm0 =	vmand vm2, vm1  }
0x30: {  	v5 =	vmpcnt.ones.xlane vm0  }
0x31: {  	s30 =	spop (v2sf)  }
0x32: {  	v6 =	vpsel p0, v3, v2;
	(v2sf) =	vpush v5, $0x0;
	s23 =	sadd.s32 s23, s30  }
0x33: {  	v2 =	vpsel p0, v2, v3;
	[tilespmem:s23+$0x3300] =	vst.msk vm0, v6  }
.Ltmp0:
0x34: {  	[tilespmem:s23+$0x3480] =	vst.msk vm0, v2;
	(pc) =	sbr.rel @p1 .LBB2_2-.Ltmp0, $4  }
0x35: {  	s24 =	sadd.s32 $0x10, s24;
	[tilespmem:s23+$0x3600] =	vst.msk vm0, v4  }
0x36: {  	s25 =	sadd.s32 $0x10, s25;
	v2 =	vld [tilespmem:s24+$0x0]  }
0x37: {  	s26 =	sadd.s32 $0x10, s26;
	v3 =	vld [tilespmem:s25+$0x0]  }
0x38: {  	s29 =	sadd.s32 $0x10, s29;
	v4 =	vld [tilespmem:s26+$0x0]  }
0x39: {  	_ =	sdelay $0x3  }
0x3a: {  	v5 =	vmov s28;
	vm0 =	vgt.f32 v4, $5.493061540e-01;
	vm1 =	vlt.f32 v4, $-5.493061540e-01  }
0x3b: {  	vm2 =	vlt.u32 v5, v0;
	vm1 =	vmor vm0, vm1  }
0x3c: {  	vm1 =	vmand vm2, vm1  }
0x3d: {  	v62 =	vmpcnt.ones.xlane vm1;
	_ =	sdelay $0x1  }
0x3e: {  	(v2sf) =	vpush v62, $0x0;
	_ =	sdelay $0xc  }
0x3f: {  	s24 =	spop (v2sf)  }
0x40: {  	v63 =	vpsel p0, v3, v2;
	s23 =	sadd.s32 s23, s24  }
0x41: {  	v2 =	vpsel p0, v2, v3;
	[tilespmem:s23+$0x3300] =	vst.msk vm1, v63;
	s31 =	spop (v2sf)  }
0x42: {  	v3 =	vsel vm0, $0x3F800000, v1;
	[tilespmem:s23+$0x3480] =	vst.msk vm1, v2;
	s24 =	sadd.s32 s23, s31  }
0x43: {  	[tilespmem:s23+$0x3600] =	vst.msk vm1, v3;
	v2 =	vmov s24  }
0x44: {  	[tilespmem:$0x3780] =	vst v2  }
0x45: {  	[hbm4b:s6+s5] =	stream.linear.scatter [tilespmem:s17], [sflag:$0x2], $0x110, $0x38;
	[tilespmem:$0x3800] =	vst v63  }
0x46: {  	_ =	swait.ge [sflag:s18], $0x110  }
0x47: {  	[sflag:s18] =	ssyncset.done $0x0  }
0x48: {  	[sflag:s18] =	ssyncadd.s32 $0xFFFFFEF0  }
0x49: {  	[hbm4b:s7+s5] =	stream.linear.scatter [tilespmem:s19], [sflag:$0x2], $0x110, $0x38;
	[tilespmem:$0x3800] =	vst v63  }
0x4a: {  	_ =	swait.ge [sflag:s18], $0x110  }
0x4b: {  	[sflag:s18] =	ssyncset.done $0x0  }
0x4c: {  	[sflag:s18] =	ssyncadd.s32 $0xFFFFFEF0  }
0x4d: {  	[hbm4b:s8+s5] =	stream.linear.scatter [tilespmem:s20], [sflag:$0x2], $0x110, $0x38;
	[tilespmem:$0x3800] =	vst v63  }
0x4e: {  	s22 =	sadd.s32 $0x1, s22;
	_ =	swait.ge [sflag:s18], $0x110  }
0x4f: {  	p1 =	sne.s32 s22, s10;
	[sflag:s18] =	ssyncset.done $0x0  }
.Ltmp1:
0x50: {  	[sflag:s18] =	ssyncadd.s32 $0xFFFFFEF0;
	(pc) =	sbr.rel @p1 .LBB2_1-.Ltmp1, $4  }
0x51: {  	[hbm4b:s9+s5] =	stream.linear.scatter [tilespmem:s21], [sflag:$0x2], $0x80, $0x38;
	[tilespmem:$0x3800] =	vst v63  }
0x52: {  	_ =	swait.ge [sflag:s18], $0x80  }
0x53: {  	[sflag:s18] =	ssyncset.done $0x0  }
0x54: {  	[sflag:s18] =	ssyncadd.s32 $0xFFFFFF80  }
0x55: {  	_ =	sfence.sel $0x180000  }
0x56: {  	[bflag:$0x0] =	sbarrier.arrive $0xFFFF  }
0x57: {  	p0 =	sne.s32 s0, $0x0;
	_ =	strace $0x90000047  }
0x58: {  	s0 =	sadd.s32 @!p0 $0x100000, s3;
	[bflag:$0x2] =	sbarrier.arrive $0xFFFF  }
0x59: {  	[sflag:s0] =	ssyncadd.tile.s32 @!p0 $0x1;
	_ =	shalt  }
.Lfunc_end2:
_tile_overlayer_lowered:
.L_overlay_start_2:
0x5a: {  	(tag) =	ssettag $0x2  }
0x5b: {  	s0 =	rddreg [dreg:$0x0];
	s2 =	stileid.u32  }
0x5c: {  	s1 =	rddreg [dreg:$0x1];
	p0 =	sne.s32 s2, $0x0  }
0x5d: {  	s3 =	rddreg [dreg:$0x2];
	[bflag:$0x3] =	sbarrier.arrive $0xFFFF;
	s2 =	simm.s32 @!p0 $0x1C02  }
0x5e: {  	[timem:s3], [sflag:s2] =	dma.local @!p0 [hbm:s0], s1  }
0x5f: {  	s0 =	simm.s32 @!p0 $0x2  }
0x60: {  	_ =	swait.ge @!p0 [sflag:s0], s1  }
0x61: {  	s1 =	ssub.s32 @!p0 $0x0, s1;
	[sflag:s0] =	ssyncset.done @!p0 $0x0  }
0x62: {  	[sflag:s0] =	ssyncadd.s32 @!p0 s1  }
0x63: {  	[bflag:$0x3] =	sbarrier.arrive $0xFFFF  }
0x64: {  	_ =	shalt  }

</sc_bundles>
